<compile_context>
chip_gen: v7x
topology: tpu7x:2x2x1
jax: 0.10.2.dev20260603
libtpu: 0.0.44.dev20260713+nightly
codegen_flags: <defaults>
</compile_context>

<pallas_src>
import functools

import jax
import jax.numpy as jnp
from jax import lax
from jax.experimental import pallas as pl
from jax.experimental.pallas import tpu as pltpu
from jax.experimental.pallas import tpu_sc as plsc

L = 16
NS = 16


@functools.lru_cache(maxsize=None)
def _build(B: int, V: int):
    assert B % (NS * L) == 0 and V % 8 == 0 and B % 128 == 0
    bpw = B // NS

    mesh = plsc.VectorSubcoreMesh(
        core_axis_name="c", subcore_axis_name="s", num_cores=1
    )

    @functools.partial(
        pl.kernel,
        out_type=jax.ShapeDtypeStruct((L,), jnp.float32),
        mesh=mesh,
        compiler_params=pltpu.CompilerParams(use_tc_tiling_on_sc=True),
        scratch_types=[
            pltpu.VMEM((bpw,), jnp.int32),
            pltpu.VMEM((bpw,), jnp.int32),
            pltpu.VMEM((bpw,), jnp.float32),
            pltpu.VMEM((L,), jnp.float32),
            pltpu.VMEM_SHARED((NS * L,), jnp.float32),
            pltpu.VMEM((NS * L,), jnp.float32),
            pltpu.SemaphoreType.DMA,
        ],
    )
    def gather_mean(flat, yref, out, y_v, idx_v, g_v, acc_v, shared, red_v, sem):
        sid = lax.axis_index("s")
        base = sid * bpw
        pltpu.sync_copy(yref.at[pl.ds(base, bpw)], y_v)
        iota = lax.iota(jnp.int32, L)
        for c in range(bpw // L):
            yc = y_v[pl.ds(c * L, L)]
            b = base + c * L + iota
            word = (
                lax.shift_left(lax.shift_right_logical(yc, 3), 13)
                + lax.shift_left(lax.shift_right_logical(b, 7), 10)
                + lax.shift_left(lax.bitwise_and(yc, 7), 7)
                + lax.bitwise_and(b, 127)
            )
            idx_v[pl.ds(c * L, L)] = word
        pltpu.async_copy(flat.at[idx_v], g_v, sem).wait()
        acc = jnp.zeros((L,), jnp.float32)
        for c in range(bpw // L):
            acc = acc + g_v[pl.ds(c * L, L)]
        acc_v[...] = acc
        pltpu.sync_copy(acc_v, shared.at[pl.ds(sid * L, L)])
        plsc.subcore_barrier()

        @pl.when(sid == 0)
        def _():
            pltpu.sync_copy(shared, red_v)
            tot = red_v[pl.ds(0, L)]
            for j in range(1, NS):
                tot = tot + red_v[pl.ds(j * L, L)]
            s = tot[0]
            for j in range(1, L):
                s = s + tot[j]
            acc_v[...] = jnp.broadcast_to(s * (1.0 / B), (L,))
            pltpu.sync_copy(acc_v, out)

    return gather_mean


def kernel(output, y):
    B, V = output.shape
    flat = (
        output.T.reshape(V // 8, 8, B // 128, 128)
        .transpose(0, 2, 1, 3)
        .reshape(V * B)
    )
    res = _build(B, V)(flat, y.astype(jnp.int32))
    return res[0]

# --- scband reference (transcript-rebuilt; emitter-appended) ---
"""Pipeline reference for scband-correct-class-loss-23450521436497 (READ-ONLY COPY).

The authoritative reference and input builder live on the scoring server;
editing this copy changes nothing except your own understanding.
"""

import jax, jax.numpy as jnp
import numpy as np

B = 1024
V = 100000

def setup_inputs(seed: int = 0) -> dict:
    key = jax.random.key(seed)
    k1, k2 = jax.random.split(key)
    output = jax.random.normal(k1, (B, V), dtype=jnp.float32)
    y = jax.random.randint(k2, (B,), 0, V, dtype=jnp.int64)
    return {"output": output, "y": y}

def reference(output, y):
    # torch: output.gather(1, y.view(-1, 1)).mean()
    gathered = jnp.take_along_axis(output, y.reshape(-1, 1), axis=1)  # [B, 1]
    return gathered.mean()

if __name__ == "__main__":
    import jax
    _d = setup_inputs()
    print(jax.jit(kernel)(*tuple(_d.values())))

</pallas_src>

<mosaic_0001>
#map = affine_map<(d0, d1) -> (0)>
module attributes {stable_mosaic.version = 14 : i64} {
  func.func @gather_mean(%arg0: i32, %arg1: i32, %arg2: memref<102400000xf32, #tpu.memory_space<hbm>>, %arg3: memref<1024xi32, #tpu.memory_space<hbm>>, %arg4: memref<16xf32, #tpu.memory_space<hbm>>, %arg5: memref<64xi32, #tpu.memory_space<vmem>>, %arg6: memref<64xi32, #tpu.memory_space<vmem>>, %arg7: memref<64xf32, #tpu.memory_space<vmem>>, %arg8: memref<16xf32, #tpu.memory_space<vmem>>, %arg9: memref<256xf32, #tpu.memory_space<vmem_shared>>, %arg10: memref<256xf32, #tpu.memory_space<vmem>>, %arg11: memref<!tpu.dma_semaphore, #tpu.memory_space<semaphore_mem>>) attributes {dimension_semantics = [#tpu.dimension_semantics<core_parallel>, #tpu.dimension_semantics<subcore_parallel>], iteration_bounds = array<i64: 1, 16>, scalar_prefetch = 0 : i64, scratch_operands = 7 : i64, tpu.core_type = #tpu.core_type<sc_vector_subcore>, window_params = [{transform_indices = #map}, {transform_indices = #map}, {transform_indices = #map}]} {
    %mul3A = arith.constant 64 : i32
    %mul3A_0 = arith.muli %arg1, %mul3A : i32
    "tpu.region"() ({
      %run_scoped3A = tpu.sem_alloc : memref<!tpu.dma_semaphore, #tpu.memory_space<semaphore_mem>>
      %dma_start3A_162 = tpu.memref_slice %arg3[%mul3A_0] : memref<1024xi32, #tpu.memory_space<hbm>> -> memref<64xi32, #tpu.memory_space<hbm>>
      %dma_start3A_163 = tpu.memref_slice %arg3[%mul3A_0] : memref<1024xi32, #tpu.memory_space<hbm>> -> memref<64xi32, #tpu.memory_space<hbm>>
      tpu.enqueue_dma source(%dma_start3A_163 : memref<64xi32, #tpu.memory_space<hbm>>) target(%arg5 : memref<64xi32, #tpu.memory_space<vmem>>) target_semaphore(%run_scoped3A : memref<!tpu.dma_semaphore, #tpu.memory_space<semaphore_mem>>)
      %dma_wait3A_164 = tpu.memref_slice %arg3[%mul3A_0] : memref<1024xi32, #tpu.memory_space<hbm>> -> memref<64xi32, #tpu.memory_space<hbm>>
      %dma_wait3A_165 = tpu.memref_slice %arg3[%mul3A_0] : memref<1024xi32, #tpu.memory_space<hbm>> -> memref<64xi32, #tpu.memory_space<hbm>>
      tpu.wait_dma2 semaphore(%run_scoped3A : memref<!tpu.dma_semaphore, #tpu.memory_space<semaphore_mem>>) src(%dma_wait3A_165 : memref<64xi32, #tpu.memory_space<hbm>>) dst(%arg5 : memref<64xi32, #tpu.memory_space<vmem>>)
      tpu.yield
    }) : () -> ()
    %iota3A = tpu.iota {dimensions = array<i32: 0>} : vector<16xi32>
    %get3A = arith.constant 0 : index
    %get3A_1 = tpu.vector_load %arg5[%get3A] {strides = array<i32>} : memref<64xi32, #tpu.memory_space<vmem>>, vector<16xi32>,
    %get3A_2 = vector.shape_cast %get3A_1 : vector<16xi32> to vector<16xi32>
    %add3A = arith.constant 0 : i32
    %add3A_3 = arith.addi %mul3A_0, %add3A : i32
    %add3A_4 = vector.broadcast %add3A_3 : i32 to vector<16xi32>
    %add3A_5 = arith.addi %add3A_4, %iota3A : vector<16xi32>
    %shift_right_logical3A = arith.constant 3 : i32
    %shift_right_logical3A_6 = vector.broadcast %shift_right_logical3A : i32 to vector<16xi32>
    %shift_right_logical3A_7 = arith.shrui %get3A_2, %shift_right_logical3A_6 : vector<16xi32>
    %shift_left3A = arith.constant 13 : i32
    %shift_left3A_8 = vector.broadcast %shift_left3A : i32 to vector<16xi32>
    %shift_left3A_9 = arith.shli %shift_right_logical3A_7, %shift_left3A_8 : vector<16xi32>
    %shift_right_logical3A_10 = arith.constant 7 : i32
    %shift_right_logical3A_11 = vector.broadcast %shift_right_logical3A_10 : i32 to vector<16xi32>
    %shift_right_logical3A_12 = arith.shrui %add3A_5, %shift_right_logical3A_11 : vector<16xi32>
    %shift_left3A_13 = arith.constant 10 : i32
    %shift_left3A_14 = vector.broadcast %shift_left3A_13 : i32 to vector<16xi32>
    %shift_left3A_15 = arith.shli %shift_right_logical3A_12, %shift_left3A_14 : vector<16xi32>
    %add3A_16 = arith.addi %shift_left3A_9, %shift_left3A_15 : vector<16xi32>
    %and3A = arith.constant 7 : i32
    %and3A_17 = vector.broadcast %and3A : i32 to vector<16xi32>
    %and3A_18 = arith.andi %get3A_2, %and3A_17 : vector<16xi32>
    %shift_left3A_19 = arith.constant 7 : i32
    %shift_left3A_20 = vector.broadcast %shift_left3A_19 : i32 to vector<16xi32>
    %shift_left3A_21 = arith.shli %and3A_18, %shift_left3A_20 : vector<16xi32>
    %add3A_22 = arith.addi %add3A_16, %shift_left3A_21 : vector<16xi32>
    %and3A_23 = arith.constant 127 : i32
    %and3A_24 = vector.broadcast %and3A_23 : i32 to vector<16xi32>
    %and3A_25 = arith.andi %add3A_5, %and3A_24 : vector<16xi32>
    %add3A_26 = arith.addi %add3A_22, %and3A_25 : vector<16xi32>
    %swap3A = arith.constant 0 : index
    %swap3A_27 = tpu.vector_load %arg6[%swap3A] {strides = array<i32>} : memref<64xi32, #tpu.memory_space<vmem>>, vector<16xi32>,
    %swap3A_28 = vector.shape_cast %swap3A_27 : vector<16xi32> to vector<16xi32>
    %swap3A_29 = vector.shape_cast %add3A_26 : vector<16xi32> to vector<16xi32>
    tpu.vector_store %arg6[%swap3A], %swap3A_29 {strides = array<i32>} : memref<64xi32, #tpu.memory_space<vmem>>, vector<16xi32>,
    %get3A_30 = arith.constant 16 : index
    %get3A_31 = tpu.vector_load %arg5[%get3A_30] {strides = array<i32>} : memref<64xi32, #tpu.memory_space<vmem>>, vector<16xi32>,
    %get3A_32 = vector.shape_cast %get3A_31 : vector<16xi32> to vector<16xi32>
    %add3A_33 = arith.constant 16 : i32
    %add3A_34 = arith.addi %mul3A_0, %add3A_33 : i32
    %add3A_35 = vector.broadcast %add3A_34 : i32 to vector<16xi32>
    %add3A_36 = arith.addi %add3A_35, %iota3A : vector<16xi32>
    %shift_right_logical3A_37 = arith.constant 3 : i32
    %shift_right_logical3A_38 = vector.broadcast %shift_right_logical3A_37 : i32 to vector<16xi32>
    %shift_right_logical3A_39 = arith.shrui %get3A_32, %shift_right_logical3A_38 : vector<16xi32>
    %shift_left3A_40 = arith.constant 13 : i32
    %shift_left3A_41 = vector.broadcast %shift_left3A_40 : i32 to vector<16xi32>
    %shift_left3A_42 = arith.shli %shift_right_logical3A_39, %shift_left3A_41 : vector<16xi32>
    %shift_right_logical3A_43 = arith.constant 7 : i32
    %shift_right_logical3A_44 = vector.broadcast %shift_right_logical3A_43 : i32 to vector<16xi32>
    %shift_right_logical3A_45 = arith.shrui %add3A_36, %shift_right_logical3A_44 : vector<16xi32>
    %shift_left3A_46 = arith.constant 10 : i32
    %shift_left3A_47 = vector.broadcast %shift_left3A_46 : i32 to vector<16xi32>
    %shift_left3A_48 = arith.shli %shift_right_logical3A_45, %shift_left3A_47 : vector<16xi32>
    %add3A_49 = arith.addi %shift_left3A_42, %shift_left3A_48 : vector<16xi32>
    %and3A_50 = arith.constant 7 : i32
    %and3A_51 = vector.broadcast %and3A_50 : i32 to vector<16xi32>
    %and3A_52 = arith.andi %get3A_32, %and3A_51 : vector<16xi32>
    %shift_left3A_53 = arith.constant 7 : i32
    %shift_left3A_54 = vector.broadcast %shift_left3A_53 : i32 to vector<16xi32>
    %shift_left3A_55 = arith.shli %and3A_52, %shift_left3A_54 : vector<16xi32>
    %add3A_56 = arith.addi %add3A_49, %shift_left3A_55 : vector<16xi32>
    %and3A_57 = arith.constant 127 : i32
    %and3A_58 = vector.broadcast %and3A_57 : i32 to vector<16xi32>
    %and3A_59 = arith.andi %add3A_36, %and3A_58 : vector<16xi32>
    %add3A_60 = arith.addi %add3A_56, %and3A_59 : vector<16xi32>
    %swap3A_61 = arith.constant 16 : index
    %swap3A_62 = tpu.vector_load %arg6[%swap3A_61] {strides = array<i32>} : memref<64xi32, #tpu.memory_space<vmem>>, vector<16xi32>,
    %swap3A_63 = vector.shape_cast %swap3A_62 : vector<16xi32> to vector<16xi32>
    %swap3A_64 = vector.shape_cast %add3A_60 : vector<16xi32> to vector<16xi32>
    tpu.vector_store %arg6[%swap3A_61], %swap3A_64 {strides = array<i32>} : memref<64xi32, #tpu.memory_space<vmem>>, vector<16xi32>,
    %get3A_65 = arith.constant 32 : index
    %get3A_66 = tpu.vector_load %arg5[%get3A_65] {strides = array<i32>} : memref<64xi32, #tpu.memory_space<vmem>>, vector<16xi32>,
    %get3A_67 = vector.shape_cast %get3A_66 : vector<16xi32> to vector<16xi32>
    %add3A_68 = arith.constant 32 : i32
    %add3A_69 = arith.addi %mul3A_0, %add3A_68 : i32
    %add3A_70 = vector.broadcast %add3A_69 : i32 to vector<16xi32>
    %add3A_71 = arith.addi %add3A_70, %iota3A : vector<16xi32>
    %shift_right_logical3A_72 = arith.constant 3 : i32
    %shift_right_logical3A_73 = vector.broadcast %shift_right_logical3A_72 : i32 to vector<16xi32>
    %shift_right_logical3A_74 = arith.shrui %get3A_67, %shift_right_logical3A_73 : vector<16xi32>
    %shift_left3A_75 = arith.constant 13 : i32
    %shift_left3A_76 = vector.broadcast %shift_left3A_75 : i32 to vector<16xi32>
    %shift_left3A_77 = arith.shli %shift_right_logical3A_74, %shift_left3A_76 : vector<16xi32>
    %shift_right_logical3A_78 = arith.constant 7 : i32
    %shift_right_logical3A_79 = vector.broadcast %shift_right_logical3A_78 : i32 to vector<16xi32>
    %shift_right_logical3A_80 = arith.shrui %add3A_71, %shift_right_logical3A_79 : vector<16xi32>
    %shift_left3A_81 = arith.constant 10 : i32
    %shift_left3A_82 = vector.broadcast %shift_left3A_81 : i32 to vector<16xi32>
    %shift_left3A_83 = arith.shli %shift_right_logical3A_80, %shift_left3A_82 : vector<16xi32>
    %add3A_84 = arith.addi %shift_left3A_77, %shift_left3A_83 : vector<16xi32>
    %and3A_85 = arith.constant 7 : i32
    %and3A_86 = vector.broadcast %and3A_85 : i32 to vector<16xi32>
    %and3A_87 = arith.andi %get3A_67, %and3A_86 : vector<16xi32>
    %shift_left3A_88 = arith.constant 7 : i32
    %shift_left3A_89 = vector.broadcast %shift_left3A_88 : i32 to vector<16xi32>
    %shift_left3A_90 = arith.shli %and3A_87, %shift_left3A_89 : vector<16xi32>
    %add3A_91 = arith.addi %add3A_84, %shift_left3A_90 : vector<16xi32>
    %and3A_92 = arith.constant 127 : i32
    %and3A_93 = vector.broadcast %and3A_92 : i32 to vector<16xi32>
    %and3A_94 = arith.andi %add3A_71, %and3A_93 : vector<16xi32>
    %add3A_95 = arith.addi %add3A_91, %and3A_94 : vector<16xi32>
    %swap3A_96 = arith.constant 32 : index
    %swap3A_97 = tpu.vector_load %arg6[%swap3A_96] {strides = array<i32>} : memref<64xi32, #tpu.memory_space<vmem>>, vector<16xi32>,
    %swap3A_98 = vector.shape_cast %swap3A_97 : vector<16xi32> to vector<16xi32>
    %swap3A_99 = vector.shape_cast %add3A_95 : vector<16xi32> to vector<16xi32>
    tpu.vector_store %arg6[%swap3A_96], %swap3A_99 {strides = array<i32>} : memref<64xi32, #tpu.memory_space<vmem>>, vector<16xi32>,
    %get3A_100 = arith.constant 48 : index
    %get3A_101 = tpu.vector_load %arg5[%get3A_100] {strides = array<i32>} : memref<64xi32, #tpu.memory_space<vmem>>, vector<16xi32>,
    %get3A_102 = vector.shape_cast %get3A_101 : vector<16xi32> to vector<16xi32>
    %add3A_103 = arith.constant 48 : i32
    %add3A_104 = arith.addi %mul3A_0, %add3A_103 : i32
    %add3A_105 = vector.broadcast %add3A_104 : i32 to vector<16xi32>
    %add3A_106 = arith.addi %add3A_105, %iota3A : vector<16xi32>
    %shift_right_logical3A_107 = arith.constant 3 : i32
    %shift_right_logical3A_108 = vector.broadcast %shift_right_logical3A_107 : i32 to vector<16xi32>
    %shift_right_logical3A_109 = arith.shrui %get3A_102, %shift_right_logical3A_108 : vector<16xi32>
    %shift_left3A_110 = arith.constant 13 : i32
    %shift_left3A_111 = vector.broadcast %shift_left3A_110 : i32 to vector<16xi32>
    %shift_left3A_112 = arith.shli %shift_right_logical3A_109, %shift_left3A_111 : vector<16xi32>
    %shift_right_logical3A_113 = arith.constant 7 : i32
    %shift_right_logical3A_114 = vector.broadcast %shift_right_logical3A_113 : i32 to vector<16xi32>
    %shift_right_logical3A_115 = arith.shrui %add3A_106, %shift_right_logical3A_114 : vector<16xi32>
    %shift_left3A_116 = arith.constant 10 : i32
    %shift_left3A_117 = vector.broadcast %shift_left3A_116 : i32 to vector<16xi32>
    %shift_left3A_118 = arith.shli %shift_right_logical3A_115, %shift_left3A_117 : vector<16xi32>
    %add3A_119 = arith.addi %shift_left3A_112, %shift_left3A_118 : vector<16xi32>
    %and3A_120 = arith.constant 7 : i32
    %and3A_121 = vector.broadcast %and3A_120 : i32 to vector<16xi32>
    %and3A_122 = arith.andi %get3A_102, %and3A_121 : vector<16xi32>
    %shift_left3A_123 = arith.constant 7 : i32
    %shift_left3A_124 = vector.broadcast %shift_left3A_123 : i32 to vector<16xi32>
    %shift_left3A_125 = arith.shli %and3A_122, %shift_left3A_124 : vector<16xi32>
    %add3A_126 = arith.addi %add3A_119, %shift_left3A_125 : vector<16xi32>
    %and3A_127 = arith.constant 127 : i32
    %and3A_128 = vector.broadcast %and3A_127 : i32 to vector<16xi32>
    %and3A_129 = arith.andi %add3A_106, %and3A_128 : vector<16xi32>
    %add3A_130 = arith.addi %add3A_126, %and3A_129 : vector<16xi32>
    %swap3A_131 = arith.constant 48 : index
    %swap3A_132 = tpu.vector_load %arg6[%swap3A_131] {strides = array<i32>} : memref<64xi32, #tpu.memory_space<vmem>>, vector<16xi32>,
    %swap3A_133 = vector.shape_cast %swap3A_132 : vector<16xi32> to vector<16xi32>
    %swap3A_134 = vector.shape_cast %add3A_130 : vector<16xi32> to vector<16xi32>
    tpu.vector_store %arg6[%swap3A_131], %swap3A_134 {strides = array<i32>} : memref<64xi32, #tpu.memory_space<vmem>>, vector<16xi32>,
    %dma_start3A = arith.constant 0 : i32
    %dma_start3A_135 = tpu.memref_slice %arg2[%dma_start3A] : memref<102400000xf32, #tpu.memory_space<hbm>> -> memref<102400000xf32, #tpu.memory_space<hbm>>
    tpu.enqueue_indirect_dma source(%dma_start3A_135 : memref<102400000xf32, #tpu.memory_space<hbm>>) target(%arg7 : memref<64xf32, #tpu.memory_space<vmem>>) offsets(%arg6 : memref<64xi32, #tpu.memory_space<vmem>>) semaphore(%arg11 : memref<!tpu.dma_semaphore, #tpu.memory_space<semaphore_mem>>)
    %dma_wait3A = arith.constant 0 : i32
    %dma_wait3A_136 = tpu.memref_slice %arg2[%dma_wait3A] : memref<102400000xf32, #tpu.memory_space<hbm>> -> memref<102400000xf32, #tpu.memory_space<hbm>>
    tpu.wait_indirect_dma semaphore(%arg11 : memref<!tpu.dma_semaphore, #tpu.memory_space<semaphore_mem>>) src(%dma_wait3A_136 : memref<102400000xf32, #tpu.memory_space<hbm>>) dst(%arg7 : memref<64xf32, #tpu.memory_space<vmem>>)
    %broadcast_in_dim3A = arith.constant 0.000000e+00 : f32
    %broadcast_in_dim3A_137 = vector.broadcast %broadcast_in_dim3A : f32 to vector<16xf32>
    %get3A_138 = arith.constant 0 : index
    %get3A_139 = tpu.vector_load %arg7[%get3A_138] {strides = array<i32>} : memref<64xf32, #tpu.memory_space<vmem>>, vector<16xf32>,
    %get3A_140 = vector.shape_cast %get3A_139 : vector<16xf32> to vector<16xf32>
    %add3A_141 = arith.addf %broadcast_in_dim3A_137, %get3A_140 : vector<16xf32>
    %get3A_142 = arith.constant 16 : index
    %get3A_143 = tpu.vector_load %arg7[%get3A_142] {strides = array<i32>} : memref<64xf32, #tpu.memory_space<vmem>>, vector<16xf32>,
    %get3A_144 = vector.shape_cast %get3A_143 : vector<16xf32> to vector<16xf32>
    %add3A_145 = arith.addf %add3A_141, %get3A_144 : vector<16xf32>
    %get3A_146 = arith.constant 32 : index
    %get3A_147 = tpu.vector_load %arg7[%get3A_146] {strides = array<i32>} : memref<64xf32, #tpu.memory_space<vmem>>, vector<16xf32>,
    %get3A_148 = vector.shape_cast %get3A_147 : vector<16xf32> to vector<16xf32>
    %add3A_149 = arith.addf %add3A_145, %get3A_148 : vector<16xf32>
    %get3A_150 = arith.constant 48 : index
    %get3A_151 = tpu.vector_load %arg7[%get3A_150] {strides = array<i32>} : memref<64xf32, #tpu.memory_space<vmem>>, vector<16xf32>,
    %get3A_152 = vector.shape_cast %get3A_151 : vector<16xf32> to vector<16xf32>
    %add3A_153 = arith.addf %add3A_149, %get3A_152 : vector<16xf32>
    %swap3A_154 = arith.constant 0 : index
    %swap3A_155 = tpu.vector_load %arg8[%swap3A_154] {strides = array<i32>} : memref<16xf32, #tpu.memory_space<vmem>>, vector<16xf32>,
    %swap3A_156 = vector.shape_cast %swap3A_155 : vector<16xf32> to vector<16xf32>
    %swap3A_157 = vector.shape_cast %add3A_153 : vector<16xf32> to vector<16xf32>
    tpu.vector_store %arg8[%swap3A_154], %swap3A_157 {strides = array<i32>} : memref<16xf32, #tpu.memory_space<vmem>>, vector<16xf32>,
    %mul3A_158 = arith.constant 16 : i32
    %mul3A_159 = arith.muli %arg1, %mul3A_158 : i32
    "tpu.region"() ({
      %run_scoped3A = tpu.sem_alloc : memref<!tpu.dma_semaphore, #tpu.memory_space<semaphore_mem>>
      %dma_start3A_162 = tpu.memref_slice %arg9[%mul3A_159] : memref<256xf32, #tpu.memory_space<vmem_shared>> -> memref<16xf32, #tpu.memory_space<vmem_shared>>
      %dma_start3A_163 = tpu.memref_slice %arg9[%mul3A_159] : memref<256xf32, #tpu.memory_space<vmem_shared>> -> memref<16xf32, #tpu.memory_space<vmem_shared>>
      tpu.enqueue_dma source(%arg8 : memref<16xf32, #tpu.memory_space<vmem>>) target(%dma_start3A_163 : memref<16xf32, #tpu.memory_space<vmem_shared>>) target_semaphore(%run_scoped3A : memref<!tpu.dma_semaphore, #tpu.memory_space<semaphore_mem>>)
      %dma_wait3A_164 = tpu.memref_slice %arg9[%mul3A_159] : memref<256xf32, #tpu.memory_space<vmem_shared>> -> memref<16xf32, #tpu.memory_space<vmem_shared>>
      %dma_wait3A_165 = tpu.memref_slice %arg9[%mul3A_159] : memref<256xf32, #tpu.memory_space<vmem_shared>> -> memref<16xf32, #tpu.memory_space<vmem_shared>>
      tpu.wait_dma2 semaphore(%run_scoped3A : memref<!tpu.dma_semaphore, #tpu.memory_space<semaphore_mem>>) src(%arg8 : memref<16xf32, #tpu.memory_space<vmem>>) dst(%dma_wait3A_165 : memref<16xf32, #tpu.memory_space<vmem_shared>>)
      tpu.yield
    }) : () -> ()
    %barrier3A = arith.constant 0 : index
    tpu.barrier barrier_id(%barrier3A)
    %eq3A = arith.constant 0 : i32
    %eq3A_160 = arith.cmpi eq, %arg1, %eq3A : i32
    %convert_element_type3A = arith.extui %eq3A_160 : i1 to i32
    %cond3A = arith.constant 0 : i32
    %cond3A_161 = arith.cmpi ne, %convert_element_type3A, %cond3A : i32
    scf.if %cond3A_161 {
      "tpu.region"() ({
        %run_scoped3A = tpu.sem_alloc : memref<!tpu.dma_semaphore, #tpu.memory_space<semaphore_mem>>
        tpu.enqueue_dma source(%arg9 : memref<256xf32, #tpu.memory_space<vmem_shared>>) target(%arg10 : memref<256xf32, #tpu.memory_space<vmem>>) target_semaphore(%run_scoped3A : memref<!tpu.dma_semaphore, #tpu.memory_space<semaphore_mem>>)
        tpu.wait_dma2 semaphore(%run_scoped3A : memref<!tpu.dma_semaphore, #tpu.memory_space<semaphore_mem>>) src(%arg9 : memref<256xf32, #tpu.memory_space<vmem_shared>>) dst(%arg10 : memref<256xf32, #tpu.memory_space<vmem>>)
        tpu.yield
      }) : () -> ()
      %get3A_162 = arith.constant 0 : index
      %get3A_163 = tpu.vector_load %arg10[%get3A_162] {strides = array<i32>} : memref<256xf32, #tpu.memory_space<vmem>>, vector<16xf32>,
      %get3A_164 = vector.shape_cast %get3A_163 : vector<16xf32> to vector<16xf32>
      %get3A_165 = arith.constant 16 : index
      %get3A_166 = tpu.vector_load %arg10[%get3A_165] {strides = array<i32>} : memref<256xf32, #tpu.memory_space<vmem>>, vector<16xf32>,
      %get3A_167 = vector.shape_cast %get3A_166 : vector<16xf32> to vector<16xf32>
      %add3A_168 = arith.addf %get3A_164, %get3A_167 : vector<16xf32>
      %get3A_169 = arith.constant 32 : index
      %get3A_170 = tpu.vector_load %arg10[%get3A_169] {strides = array<i32>} : memref<256xf32, #tpu.memory_space<vmem>>, vector<16xf32>,
      %get3A_171 = vector.shape_cast %get3A_170 : vector<16xf32> to vector<16xf32>
      %add3A_172 = arith.addf %add3A_168, %get3A_171 : vector<16xf32>
      %get3A_173 = arith.constant 48 : index
      %get3A_174 = tpu.vector_load %arg10[%get3A_173] {strides = array<i32>} : memref<256xf32, #tpu.memory_space<vmem>>, vector<16xf32>,
      %get3A_175 = vector.shape_cast %get3A_174 : vector<16xf32> to vector<16xf32>
      %add3A_176 = arith.addf %add3A_172, %get3A_175 : vector<16xf32>
      %get3A_177 = arith.constant 64 : index
      %get3A_178 = tpu.vector_load %arg10[%get3A_177] {strides = array<i32>} : memref<256xf32, #tpu.memory_space<vmem>>, vector<16xf32>,
      %get3A_179 = vector.shape_cast %get3A_178 : vector<16xf32> to vector<16xf32>
      %add3A_180 = arith.addf %add3A_176, %get3A_179 : vector<16xf32>
      %get3A_181 = arith.constant 80 : index
      %get3A_182 = tpu.vector_load %arg10[%get3A_181] {strides = array<i32>} : memref<256xf32, #tpu.memory_space<vmem>>, vector<16xf32>,
      %get3A_183 = vector.shape_cast %get3A_182 : vector<16xf32> to vector<16xf32>
      %add3A_184 = arith.addf %add3A_180, %get3A_183 : vector<16xf32>
      %get3A_185 = arith.constant 96 : index
      %get3A_186 = tpu.vector_load %arg10[%get3A_185] {strides = array<i32>} : memref<256xf32, #tpu.memory_space<vmem>>, vector<16xf32>,
      %get3A_187 = vector.shape_cast %get3A_186 : vector<16xf32> to vector<16xf32>
      %add3A_188 = arith.addf %add3A_184, %get3A_187 : vector<16xf32>
      %get3A_189 = arith.constant 112 : index
      %get3A_190 = tpu.vector_load %arg10[%get3A_189] {strides = array<i32>} : memref<256xf32, #tpu.memory_space<vmem>>, vector<16xf32>,
      %get3A_191 = vector.shape_cast %get3A_190 : vector<16xf32> to vector<16xf32>
      %add3A_192 = arith.addf %add3A_188, %get3A_191 : vector<16xf32>
      %get3A_193 = arith.constant 128 : index
      %get3A_194 = tpu.vector_load %arg10[%get3A_193] {strides = array<i32>} : memref<256xf32, #tpu.memory_space<vmem>>, vector<16xf32>,
      %get3A_195 = vector.shape_cast %get3A_194 : vector<16xf32> to vector<16xf32>
      %add3A_196 = arith.addf %add3A_192, %get3A_195 : vector<16xf32>
      %get3A_197 = arith.constant 144 : index
      %get3A_198 = tpu.vector_load %arg10[%get3A_197] {strides = array<i32>} : memref<256xf32, #tpu.memory_space<vmem>>, vector<16xf32>,
      %get3A_199 = vector.shape_cast %get3A_198 : vector<16xf32> to vector<16xf32>
      %add3A_200 = arith.addf %add3A_196, %get3A_199 : vector<16xf32>
      %get3A_201 = arith.constant 160 : index
      %get3A_202 = tpu.vector_load %arg10[%get3A_201] {strides = array<i32>} : memref<256xf32, #tpu.memory_space<vmem>>, vector<16xf32>,
      %get3A_203 = vector.shape_cast %get3A_202 : vector<16xf32> to vector<16xf32>
      %add3A_204 = arith.addf %add3A_200, %get3A_203 : vector<16xf32>
      %get3A_205 = arith.constant 176 : index
      %get3A_206 = tpu.vector_load %arg10[%get3A_205] {strides = array<i32>} : memref<256xf32, #tpu.memory_space<vmem>>, vector<16xf32>,
      %get3A_207 = vector.shape_cast %get3A_206 : vector<16xf32> to vector<16xf32>
      %add3A_208 = arith.addf %add3A_204, %get3A_207 : vector<16xf32>
      %get3A_209 = arith.constant 192 : index
      %get3A_210 = tpu.vector_load %arg10[%get3A_209] {strides = array<i32>} : memref<256xf32, #tpu.memory_space<vmem>>, vector<16xf32>,
      %get3A_211 = vector.shape_cast %get3A_210 : vector<16xf32> to vector<16xf32>
      %add3A_212 = arith.addf %add3A_208, %get3A_211 : vector<16xf32>
      %get3A_213 = arith.constant 208 : index
      %get3A_214 = tpu.vector_load %arg10[%get3A_213] {strides = array<i32>} : memref<256xf32, #tpu.memory_space<vmem>>, vector<16xf32>,
      %get3A_215 = vector.shape_cast %get3A_214 : vector<16xf32> to vector<16xf32>
      %add3A_216 = arith.addf %add3A_212, %get3A_215 : vector<16xf32>
      %get3A_217 = arith.constant 224 : index
      %get3A_218 = tpu.vector_load %arg10[%get3A_217] {strides = array<i32>} : memref<256xf32, #tpu.memory_space<vmem>>, vector<16xf32>,
      %get3A_219 = vector.shape_cast %get3A_218 : vector<16xf32> to vector<16xf32>
      %add3A_220 = arith.addf %add3A_216, %get3A_219 : vector<16xf32>
      %get3A_221 = arith.constant 240 : index
      %get3A_222 = tpu.vector_load %arg10[%get3A_221] {strides = array<i32>} : memref<256xf32, #tpu.memory_space<vmem>>, vector<16xf32>,
      %get3A_223 = vector.shape_cast %get3A_222 : vector<16xf32> to vector<16xf32>
      %add3A_224 = arith.addf %add3A_220, %get3A_223 : vector<16xf32>
      %slice3A = vector.extract_strided_slice %add3A_224 {offsets = [0], sizes = [1], strides = [1]} : vector<16xf32> to vector<1xf32>
      %squeeze3A = vector.extract %slice3A[0] : f32 from vector<1xf32>
      %slice3A_225 = vector.extract_strided_slice %add3A_224 {offsets = [1], sizes = [1], strides = [1]} : vector<16xf32> to vector<1xf32>
      %squeeze3A_226 = vector.extract %slice3A_225[0] : f32 from vector<1xf32>
      %add3A_227 = arith.addf %squeeze3A, %squeeze3A_226 : f32
      %slice3A_228 = vector.extract_strided_slice %add3A_224 {offsets = [2], sizes = [1], strides = [1]} : vector<16xf32> to vector<1xf32>
      %squeeze3A_229 = vector.extract %slice3A_228[0] : f32 from vector<1xf32>
      %add3A_230 = arith.addf %add3A_227, %squeeze3A_229 : f32
      %slice3A_231 = vector.extract_strided_slice %add3A_224 {offsets = [3], sizes = [1], strides = [1]} : vector<16xf32> to vector<1xf32>
      %squeeze3A_232 = vector.extract %slice3A_231[0] : f32 from vector<1xf32>
      %add3A_233 = arith.addf %add3A_230, %squeeze3A_232 : f32
      %slice3A_234 = vector.extract_strided_slice %add3A_224 {offsets = [4], sizes = [1], strides = [1]} : vector<16xf32> to vector<1xf32>
      %squeeze3A_235 = vector.extract %slice3A_234[0] : f32 from vector<1xf32>
      %add3A_236 = arith.addf %add3A_233, %squeeze3A_235 : f32
      %slice3A_237 = vector.extract_strided_slice %add3A_224 {offsets = [5], sizes = [1], strides = [1]} : vector<16xf32> to vector<1xf32>
      %squeeze3A_238 = vector.extract %slice3A_237[0] : f32 from vector<1xf32>
      %add3A_239 = arith.addf %add3A_236, %squeeze3A_238 : f32
      %slice3A_240 = vector.extract_strided_slice %add3A_224 {offsets = [6], sizes = [1], strides = [1]} : vector<16xf32> to vector<1xf32>
      %squeeze3A_241 = vector.extract %slice3A_240[0] : f32 from vector<1xf32>
      %add3A_242 = arith.addf %add3A_239, %squeeze3A_241 : f32
      %slice3A_243 = vector.extract_strided_slice %add3A_224 {offsets = [7], sizes = [1], strides = [1]} : vector<16xf32> to vector<1xf32>
      %squeeze3A_244 = vector.extract %slice3A_243[0] : f32 from vector<1xf32>
      %add3A_245 = arith.addf %add3A_242, %squeeze3A_244 : f32
      %slice3A_246 = vector.extract_strided_slice %add3A_224 {offsets = [8], sizes = [1], strides = [1]} : vector<16xf32> to vector<1xf32>
      %squeeze3A_247 = vector.extract %slice3A_246[0] : f32 from vector<1xf32>
      %add3A_248 = arith.addf %add3A_245, %squeeze3A_247 : f32
      %slice3A_249 = vector.extract_strided_slice %add3A_224 {offsets = [9], sizes = [1], strides = [1]} : vector<16xf32> to vector<1xf32>
      %squeeze3A_250 = vector.extract %slice3A_249[0] : f32 from vector<1xf32>
      %add3A_251 = arith.addf %add3A_248, %squeeze3A_250 : f32
      %slice3A_252 = vector.extract_strided_slice %add3A_224 {offsets = [10], sizes = [1], strides = [1]} : vector<16xf32> to vector<1xf32>
      %squeeze3A_253 = vector.extract %slice3A_252[0] : f32 from vector<1xf32>
      %add3A_254 = arith.addf %add3A_251, %squeeze3A_253 : f32
      %slice3A_255 = vector.extract_strided_slice %add3A_224 {offsets = [11], sizes = [1], strides = [1]} : vector<16xf32> to vector<1xf32>
      %squeeze3A_256 = vector.extract %slice3A_255[0] : f32 from vector<1xf32>
      %add3A_257 = arith.addf %add3A_254, %squeeze3A_256 : f32
      %slice3A_258 = vector.extract_strided_slice %add3A_224 {offsets = [12], sizes = [1], strides = [1]} : vector<16xf32> to vector<1xf32>
      %squeeze3A_259 = vector.extract %slice3A_258[0] : f32 from vector<1xf32>
      %add3A_260 = arith.addf %add3A_257, %squeeze3A_259 : f32
      %slice3A_261 = vector.extract_strided_slice %add3A_224 {offsets = [13], sizes = [1], strides = [1]} : vector<16xf32> to vector<1xf32>
      %squeeze3A_262 = vector.extract %slice3A_261[0] : f32 from vector<1xf32>
      %add3A_263 = arith.addf %add3A_260, %squeeze3A_262 : f32
      %slice3A_264 = vector.extract_strided_slice %add3A_224 {offsets = [14], sizes = [1], strides = [1]} : vector<16xf32> to vector<1xf32>
      %squeeze3A_265 = vector.extract %slice3A_264[0] : f32 from vector<1xf32>
      %add3A_266 = arith.addf %add3A_263, %squeeze3A_265 : f32
      %slice3A_267 = vector.extract_strided_slice %add3A_224 {offsets = [15], sizes = [1], strides = [1]} : vector<16xf32> to vector<1xf32>
      %squeeze3A_268 = vector.extract %slice3A_267[0] : f32 from vector<1xf32>
      %add3A_269 = arith.addf %add3A_266, %squeeze3A_268 : f32
      %mul3A_270 = arith.constant 9.765625E-4 : f32
      %mul3A_271 = arith.mulf %add3A_269, %mul3A_270 : f32
      %broadcast_in_dim3A_272 = vector.broadcast %mul3A_271 : f32 to vector<16xf32>
      %swap3A_273 = arith.constant 0 : index
      %swap3A_274 = tpu.vector_load %arg8[%swap3A_273] {strides = array<i32>} : memref<16xf32, #tpu.memory_space<vmem>>, vector<16xf32>,
      %swap3A_275 = vector.shape_cast %swap3A_274 : vector<16xf32> to vector<16xf32>
      %swap3A_276 = vector.shape_cast %broadcast_in_dim3A_272 : vector<16xf32> to vector<16xf32>
      tpu.vector_store %arg8[%swap3A_273], %swap3A_276 {strides = array<i32>} : memref<16xf32, #tpu.memory_space<vmem>>, vector<16xf32>,
      "tpu.region"() ({
        %run_scoped3A = tpu.sem_alloc : memref<!tpu.dma_semaphore, #tpu.memory_space<semaphore_mem>>
        tpu.enqueue_dma source(%arg8 : memref<16xf32, #tpu.memory_space<vmem>>) target(%arg4 : memref<16xf32, #tpu.memory_space<hbm>>) target_semaphore(%run_scoped3A : memref<!tpu.dma_semaphore, #tpu.memory_space<semaphore_mem>>)
        tpu.wait_dma2 semaphore(%run_scoped3A : memref<!tpu.dma_semaphore, #tpu.memory_space<semaphore_mem>>) src(%arg8 : memref<16xf32, #tpu.memory_space<vmem>>) dst(%arg4 : memref<16xf32, #tpu.memory_space<hbm>>)
        tpu.yield
      }) : () -> ()
    } else {
    }
    return
  }
}

</mosaic_0001>

<sc_bundles>
// kernel: kernel.3.cloned.1.call-start
scs
__scs_entry_jumppad:
0x0: {  	(pc) =	sbr.rel $0x88, $3  }
0x1: {  	(tag) =	ssettag $0x0;
	lr =	simm.s32 $0x1  }
0x2: {  	[smem:$0x3F9F] =	sst lr;
	_ =	strace $0xD0000000  }
0x3: {  	_ = 	snop  }
0x4: {  	_ = 	snop  }
0x5: {  	_ = 	snop  }
0x6: {  	_ = 	snop  }
0x7: {  	_ = 	snop  }
__scs_overlays_trampoline_lowered:
0x8: {  	[smem:$0x3FAE] =	sst s0  }
0x9: {  	[smem:$0x3FAF] =	sst s1  }
0xa: {  	[smem:$0x3FB0] =	sst s2  }
0xb: {  	[smem:$0x3FB1] =	sst s3  }
0xc: {  	[smem:$0x3FB2] =	sst s4  }
0xd: {  	[smem:$0x3FB3] =	sst s5  }
0xe: {  	[smem:$0x3FB4] =	sst s6  }
0xf: {  	[smem:$0x3FB5] =	sst s7  }
0x10: {  	[smem:$0x3FB6] =	sst s8  }
0x11: {  	[smem:$0x3FB7] =	sst s9;
	s0 =	simm.s32 @!p0 $0x0  }
0x12: {  	s1 =	sld [smem:$0x3F9D];
	s0 =	simm.s32 @p0 $0x1  }
0x13: {  	[smem:$0x3FB8] =	sst s0;
	s0 =	simm.s32 @!p1 $0x0  }
0x14: {  	s2 =	sld [smem:$0x3F9C];
	s0 =	simm.s32 @p1 $0x1  }
0x15: {  	[smem:$0x3FB9] =	sst s0;
	s0 =	simm.s32 @!p2 $0x0  }
0x16: {  	s3 =	sld [smem:$0x3FDB];
	s0 =	simm.s32 @p2 $0x1  }
0x17: {  	s4 =	simm.s32 $0x1BF5;
	[smem:$0x3FBB] =	sst s0  }
0x18: {  	s0 =	sld [smem:$0x3F9E];
	_ =	swait.ge [sflag:s4], $0x0  }
0x19: {  	s7 =	sld [smem:$0x3F9F]  }
0x1a: {  	s8 =	sadd.s32 $0xFFFFE003, lr  }
0x1b: {  	s9 =	sadd.s32 $0xFFFFFEF7, lr;
	s5 =	simm.s32 $0xFFFFFFFF;
	p2 =	slt.u32 s8, $0xFFFFF086  }
0x1c: {  	p1 =	slt.u32 s9, $0xF7A;
	s5 =	simm.s32 @!p2 $0x0  }
0x1d: {  	s5 =	simm.s32 @p1 $0x1;
	p0 =	seq.s32 s7, s2  }
0x1e: {  	s7 =	smul.u32 @!p0 $0xF7A, s2;
	p2 =	seq.s32 @!p0 s5, $0x0  }
0x1f: {  	s9 =	smul.u32 $0xF7A, s1;
	s8 =	simm.s32 @!p0 $0x1BF5;
	p2 =	por !p2, p0  }
0x20: {  	[sflag:s8] =	ssyncset.s32 @!p0 $0xFFFFF086;
	s6 =	sadd.s32 @!p0 s3, s7;
	s7 =	simm.s32 @!p0 $0x108  }
0x21: {  	s3 =	sadd.s32 s3, s9;
	s6 =	sadd.s32 @!p0 $0x88, s6;
	s7 =	simm.s32 @p2 $0x1082  }
0x22: {  	[simem:s7], [sflag:s8] =	dma.local @!p0 [hbm:s6], $0xF7A  }
0x23: {  	s9 =	sor.u32 $0xD0000000, s2;
	s6 =	simm.s32 $0x108;
	_ =	swait.ge @!p0 [sflag:s8], $0x0  }
0x24: {  	s3 =	sadd.s32 $0x88, s3;
	s6 =	simm.s32 @!p1 $0x1082;
	[sflag:s4] =	ssyncset.s32 $0xFFFFF086  }
0x25: {  	[simem:s6], [sflag:s4] =	dma.local [hbm:s3], $0xF7A  }
0x26: {  	[smem:$0x3F9F] =	sst s1;
	(tag) =	ssettag s2;
	_ =	strace s9  }
0x27: {  	s1 =	sld [smem:$0x3FAF]  }
0x28: {  	s2 =	sld [smem:$0x3FB0]  }
0x29: {  	s4 =	sld [smem:$0x3FB2]  }
0x2a: {  	p0 =	seq.s32 s5, $0x0;
	s5 =	sld [smem:$0x3FB3]  }
0x2b: {  	s6 =	sld [smem:$0x3FB4]  }
0x2c: {  	s7 =	sld [smem:$0x3FB5]  }
0x2d: {  	s3 =	simm.s32 $0x108;
	s8 =	sld [smem:$0x3FB6]  }
0x2e: {  	s3 =	simm.s32 @!p0 $0x1082;
	s9 =	sld [smem:$0x3FB7]  }
0x2f: {  	lr =	sadd.s32 s0, s3;
	s0 =	sld [smem:$0x3FAE]  }
0x30: {  	s3 =	sld [smem:$0x3FB1]  }
0x31: {  	[smem:$0x3FBA] =	sst s10  }
0x32: {  	s10 =	sld [smem:$0x3FB8];
	_ =	sdelay $0x3  }
0x33: {  	p0 =	seq.s32 s10, $0x1;
	s10 =	sld [smem:$0x3FBA];
	_ =	sdelay $0x3  }
0x34: {  	[smem:$0x3FBA] =	sst s10  }
0x35: {  	s10 =	sld [smem:$0x3FB9];
	_ =	sdelay $0x3  }
0x36: {  	p1 =	seq.s32 s10, $0x1;
	s10 =	sld [smem:$0x3FBA];
	_ =	sdelay $0x3  }
0x37: {  	[smem:$0x3FBA] =	sst s10  }
0x38: {  	s10 =	sld [smem:$0x3FBB]  }
0x39: {  	_ = 	snop;
	(pc) =	sbr.ind lr, $3  }
0x3a: {  	_ = 	snop  }
0x3b: {  	_ = 	snop  }
0x3c: {  	p2 =	seq.s32 s10, $0x1;
	s10 =	sld [smem:$0x3FBA]  }
0x3d: {  	_ =	shalt  }
0x3e: {  	_ =	shalt  }
0x3f: {  	_ =	shalt  }
0x40: {  	_ =	shalt  }
0x41: {  	_ =	shalt  }
0x42: {  	_ =	shalt  }
0x43: {  	_ =	shalt  }
0x44: {  	_ =	shalt  }
0x45: {  	_ =	shalt  }
0x46: {  	_ =	shalt  }
0x47: {  	_ =	shalt  }
0x48: {  	_ =	shalt  }
0x49: {  	_ =	shalt  }
0x4a: {  	_ =	shalt  }
0x4b: {  	_ =	shalt  }
0x4c: {  	_ =	shalt  }
0x4d: {  	_ =	shalt  }
0x4e: {  	_ =	shalt  }
0x4f: {  	_ =	shalt  }
0x50: {  	_ =	shalt  }
0x51: {  	_ =	shalt  }
0x52: {  	_ =	shalt  }
0x53: {  	_ =	shalt  }
0x54: {  	_ =	shalt  }
0x55: {  	_ =	shalt  }
0x56: {  	_ =	shalt  }
0x57: {  	_ =	shalt  }
0x58: {  	_ =	shalt  }
0x59: {  	_ =	shalt  }
0x5a: {  	_ =	shalt  }
0x5b: {  	_ =	shalt  }
0x5c: {  	_ =	shalt  }
0x5d: {  	_ =	shalt  }
0x5e: {  	_ =	shalt  }
0x5f: {  	_ =	shalt  }
0x60: {  	_ =	shalt  }
0x61: {  	_ =	shalt  }
0x62: {  	_ =	shalt  }
0x63: {  	_ =	shalt  }
0x64: {  	_ =	shalt  }
0x65: {  	_ =	shalt  }
0x66: {  	_ =	shalt  }
0x67: {  	_ =	shalt  }
0x68: {  	_ =	shalt  }
0x69: {  	_ =	shalt  }
0x6a: {  	_ =	shalt  }
0x6b: {  	_ =	shalt  }
0x6c: {  	_ =	shalt  }
0x6d: {  	_ =	shalt  }
0x6e: {  	_ =	shalt  }
0x6f: {  	_ =	shalt  }
0x70: {  	_ =	shalt  }
0x71: {  	_ =	shalt  }
0x72: {  	_ =	shalt  }
0x73: {  	_ =	shalt  }
0x74: {  	_ =	shalt  }
0x75: {  	_ =	shalt  }
0x76: {  	_ =	shalt  }
0x77: {  	_ =	shalt  }
0x78: {  	_ =	shalt  }
0x79: {  	_ =	shalt  }
0x7a: {  	_ =	shalt  }
0x7b: {  	_ =	shalt  }
0x7c: {  	_ =	shalt  }
0x7d: {  	_ =	shalt  }
0x7e: {  	_ =	shalt  }
0x7f: {  	_ =	shalt  }
0x80: {  	_ =	shalt  }
0x81: {  	_ =	shalt  }
0x82: {  	_ =	shalt  }
0x83: {  	_ =	shalt  }
0x84: {  	_ =	shalt  }
0x85: {  	_ =	shalt  }
0x86: {  	_ =	shalt  }
0x87: {  	_ =	shalt  }
.Lfunc_end0:
.L_simem_size_0:
called_computation_lowered:
.L_overlay_start_0:
0x88: {  	s0 =	sld [smem:$0x3FD9]  }
0x89: {  	s1 =	sld [smem:$0x3FFE];
	_ =	sdelay $0x3  }
0x8a: {  	s0 =	sadd.s32 s1, s0  }
0x8b: {  	[smem:$0x3FC6] =	sst s0  }
0x8c: {  	_ = 	snop  }
0x8d: {  	s0 =	sld [smem:$0x3FC9]  }
0x8e: {  	s17 =	sld [smem:$0x3FC8]  }
0x8f: {  	s2 =	sld [smem:$0x3FD0];
	(tm) =	ssettm $0x1  }
0x90: {  	s3 =	sld [smem:$0x3FFB];
	_ =	sdelay $0x3  }
0x91: {  	_ =	strace s3  }
0x92: {  	s3 =	sld [smem:$0x3FFC];
	_ =	sdelay $0x3  }
0x93: {  	_ =	strace s3  }
0x94: {  	s3 =	sld [smem:$0x3FFD];
	_ =	sdelay $0x3  }
0x95: {  	_ =	strace s3  }
0x96: {  	_ =	strace $0x8FFFFFFF  }
0x97: {  	s18 =	sld [smem:$0x3FDB];
	_ =	sdelay $0x1  }
0x98: {  	s4 =	simm.s32 $_scs_section_size  }
0x99: {  	s5 =	simm.s32 $_size__tile_overlayer_lowered;
	s6 =	simm.s32 $_tile_overlayer_lowered  }
0x9a: {  	s21 =	simm.s32 $0x1BFF;
	s20 =	sshll.u32 s6, $0x1;
	s3 =	sadd.s32 s4, s18  }
0x9b: {  	s7 =	simm.s32 $0x0;
	s19 =	sshll.u32 s5, $0x1;
	s5 =	sadd.s32 s20, s3  }
0x9c: {  	[timem:s7], [sflag:s21] =	dma.local [hbm:s5], s19  }
0x9d: {  	_ =	swait.ge [sflag:s21], s19  }
0x9e: {  	s4 =	ssub.s32 $0x0, s19;
	[sflag:s21] =	ssyncset.done $0x0  }
0x9f: {  	[sflag:s21] =	ssyncadd.s32 s4;
	_ =	sdelay $0x1  }
0xa0: {  	s22 =	simm.s32 $0x1B8B  }
0xa1: {  	_ =	swait.ge [sflag:s22], $0x1  }
0xa2: {  	[sflag:s22] =	ssyncset.done $0x0  }
0xa3: {  	s23 =	simm.s32 $0x1B8E;
	[sflag:s22] =	ssyncadd.s32 $0xFFFFFFFF  }
0xa4: {  	s24 =	simm.s32 $execute0_lowered;
	[smem:$0x3FD2] =	sst s23  }
0xa5: {  	s4 =	sshll.u32 s24, $0x1;
	_ =	strace $0x80000046;
	[dreg:$0x1] =	wrdreg $0xFFFFFFFF  }
0xa6: {  	s25 =	simm.s32 $_size_execute0_lowered;
	s3 =	sadd.s32 s3, s4;
	[dreg:$0x0] =	wrdreg $0x0  }
0xa7: {  	s4 =	sshll.u32 s25, $0x1;
	[dreg:$0x2] =	wrdreg s3  }
0xa8: {  	[dreg:$0x3] =	wrdreg s4  }
0xa9: {  	[dreg:$0x4] =	wrdreg $0xC0  }
0xaa: {  	_ =	task [dreg:s7], $0x5FFFF  }
0xab: {  	[dreg:$0x1] =	wrdreg $0xFFFFFFFF  }
0xac: {  	[dreg:$0x0] =	wrdreg $0x60  }
0xad: {  	[dreg:$0x2] =	wrdreg s0  }
0xae: {  	[dreg:$0x3] =	wrdreg s17  }
0xaf: {  	[dreg:$0x4] =	wrdreg s2  }
0xb0: {  	[dreg:$0x5] =	wrdreg $0x2000  }
0xb1: {  	[dreg:$0x6] =	wrdreg $0x9  }
0xb2: {  	_ =	task.clear_ibuf [dreg:s7], $0x7FFFF;
	_ =	strace $0x90000046  }
0xb3: {  	s26 =	simm.s32 $0x9;
	_ =	strace $0x80000048  }
0xb4: {  	_ =	swait.ge [sflag:s26], $0x1  }
0xb5: {  	[sflag:s26] =	ssyncadd.s32 $0xFFFFFFFF  }
0xb6: {  	_ =	strace $0x90000048  }
0xb7: {  	_ =	sfence  }
0xb8: {  	s28 =	sld [smem:$0x0];
	_ =	sdelay $0x1  }
0xb9: {  	s29 =	srdreg.scid  }
0xba: {  	s30 =	sshll.u32 s29, $0xD;
	s31 =	sshrl.u32 s29, $0x2  }
0xbb: {  	s1 =	sand.u32 $0x1, s29;
	s2 =	sand.u32 $0x4000, s30;
	s0 =	sadd.s32 s31, s28  }
0xbc: {  	s1 =	sor.u32 s2, s1;
	s0 =	sshll.u32 s0, $0x11  }
0xbd: {  	s0 =	sor.u32 s0, s1  }
0xbe: {  	s0 =	sadd.s32 $0x8F2B, s0  }
0xbf: {  	[sflag:s0] =	ssyncadd.remote.s32 $0x1  }
0xc0: {  	_ =	sfence.sel $0xFFFF  }
0xc1: {  	[dreg:$0x0] =	wrdreg $0xFFFFFFFF;
	(pc) =	sbr.abs _section_cstart, $3  }
0xc2: {  	[dreg:$0x1] =	wrdreg $0xFFFFFFFF  }
0xc3: {  	_ =	task.clear_ibuf [dreg:s7], $0x2FFFF;
	_ =	strace $0x9FFFFFFF  }
0xc4: {  	(tm) =	ssettm $0x7FFFFFFF  }
0xc5: {  	_ =	shalt  }
tec
execute0_lowered:
.L_overlay_start_1:
0x0: {  	(tag) =	ssettag $0x1  }
0x1: {  	s7 =	rddreg [dreg:$0x0]  }
0x2: {  	s3 =	rddreg [dreg:$0x1]  }
0x3: {  	s1 =	rddreg [dreg:$0x2]  }
0x4: {  	s4 =	rddreg [dreg:$0x3];
	s2 =	simm.s32 $0x0;
	s6 =	stileid.u32  }
0x5: {  	[smem:$0x7FF] =	sst s2;
	s5 =	sshll.u32 s6, $0x3  }
0x6: {  	s0 =	rddreg [dreg:$0x4];
	_ =	strace $0x80000047;
	s3 =	sadd.s32 s3, s5  }
0x7: {  	[tilespmem:s2], [sflag:$0x2] =	stream.linear.gather [hbm4b:s3+s2], $0x40, $0x38;
	[tilespmem:$0x310] =	vst v63  }
0x8: {  	s3 =	simm.s32 $0x2  }
0x9: {  	v1 =	vlaneseq.u32;
	s25 =	sshll.u32 s6, $0x6;
	_ =	swait.ge [sflag:s3], $0x40  }
0xa: {  	v0 =	vmov s25;
	s8 =	sor.u32 $0x10, s25;
	v2 =	vor.u32 s25, v1;
	[sflag:s3] =	ssyncset.done $0x0  }
0xb: {  	s26 =	sor.u32 $0x20, s25;
	v0 =	vshll.u32 v0, $0x3;
	v3 =	vmov s8;
	v2 =	vand.u32 $0x4F, v2;
	[sflag:s3] =	ssyncadd.s32 $0xFFFFFFC0  }
0xc: {  	s9 =	sor.u32 $0x30, s25;
	v4 =	vor.u32 s8, v1;
	v6 =	vmov s26;
	v48 =	vor.u32 s26, v1;
	v5 =	vld [tilespmem:$0x0]  }
0xd: {  	v7 =	vmov s9;
	v1 =	vor.u32 s9, v1;
	v0 =	vand.u32 $0x1C00, v0;
	v47 =	vld [tilespmem:$0x10]  }
0xe: {  	v3 =	vshll.u32 v3, $0x3;
	v4 =	vand.u32 $0x5F, v4;
	v46 =	vshll.u32 v6, $0x3;
	v8 =	vld [tilespmem:$0x20]  }
0xf: {  	v6 =	vand.u32 $0x6F, v48;
	v7 =	vshll.u32 v7, $0x3;
	v1 =	vand.u32 $0x7F, v1;
	v50 =	vld [tilespmem:$0x30]  }
0x10: {  	v3 =	vand.u32 $0x1C00, v3;
	v0 =	vor.u32 v0, v2;
	v7 =	vand.u32 $0x1C00, v7  }
0x11: {  	v45 =	vor.u32 v3, v4;
	v3 =	vand.u32 $0x1C00, v46;
	v1 =	vor.u32 v7, v1  }
0x12: {  	v3 =	vor.u32 v3, v6;
	v9 =	vshll.u32 v5, $0xA;
	v5 =	vshll.u32 v5, $0x7  }
0x13: {  	v51 =	vshll.u32 v47, $0xA;
	v4 =	vshll.u32 v47, $0x7;
	v52 =	vshll.u32 v8, $0xA  }
0x14: {  	v54 =	vshll.u32 v8, $0x7;
	v55 =	vshll.u32 v50, $0xA;
	v57 =	vshll.u32 v50, $0x7  }
0x15: {  	v49 =	vand.u32 $0xFFFFE000, v9;
	v5 =	vand.u32 $0x380, v5;
	v6 =	vand.u32 $0xFFFFE000, v51  }
0x16: {  	v4 =	vand.u32 $0x380, v4;
	v53 =	vand.u32 $0xFFFFE000, v52;
	v0 =	vor.u32 v49, v0  }
0x17: {  	v56 =	vand.u32 $0x380, v54;
	v2 =	vor.u32 v6, v45;
	v0 =	vor.u32 v5, v0  }
0x18: {  	v3 =	vor.u32 v53, v3;
	v2 =	vor.u32 v4, v2;
	v4 =	vand.u32 $0xFFFFE000, v55;
	[tilespmem:$0x80] =	vst v0  }
0x19: {  	v58 =	vand.u32 $0x380, v57;
	[tilespmem:$0x90] =	vst v2;
	v0 =	vor.u32 v56, v3;
	v1 =	vor.u32 v4, v1  }
0x1a: {  	s28 =	simm.s32 $0x40;
	[tilespmem:$0xA0] =	vst v0;
	v59 =	vor.u32 v58, v1  }
0x1b: {  	s29 =	simm.s32 $0x80;
	s10 =	simm.s32 $0x100;
	s30 =	simm.s32 $0x1;
	[tilespmem:$0xB0] =	vst v59  }
0x1c: {  	[tilespmem:s10], [sflag:$0x1] =	stream.indirect.gather [hbm4b:s7+s28], $0x1, s29, s28, $0xb8;
	[tilespmem:$0x310] =	vst v63  }
0x1d: {  	_ =	swait.ge [sflag:s30], $0x40  }
0x1e: {  	[sflag:s30] =	ssyncset.done $0x0  }
0x1f: {  	[sflag:s30] =	ssyncadd.s32 $0xFFFFFFC0  }
0x20: {  	v60 =	vld [tilespmem:$0x100];
	_ =	sdelay $0x1  }
0x21: {  	v61 =	vld [tilespmem:$0x110];
	_ =	sdelay $0x1  }
0x22: {  	v62 =	vld [tilespmem:$0x120]  }
0x23: {  	v0 =	vadd.f32 $0.0e+00, v60  }
0x24: {  	v63 =	vld [tilespmem:$0x130]  }
0x25: {  	v0 =	vadd.f32 v61, v0;
	_ =	sdelay $0x1  }
0x26: {  	v0 =	vadd.f32 v62, v0;
	_ =	sdelay $0x1  }
0x27: {  	v0 =	vadd.f32 v63, v0  }
0x28: {  	s5 =	sshrl.u32 s25, $0x2  }
0x29: {  	s31 =	sadd.s32 s5, s4;
	s5 =	simm.s32 $0x180;
	[tilespmem:$0x180] =	vst v0  }
0x2a: {  	[spmem:s31] =	stream.linear.scatter [tilespmem:s5], [sflag:$0x2], $0x10, $0x38;
	[tilespmem:$0x310] =	vst v63  }
0x2b: {  	_ =	swait.ge [sflag:s3], $0x10  }
0x2c: {  	[sflag:s3] =	ssyncset.done $0x0  }
0x2d: {  	[sflag:s3] =	ssyncadd.s32 $0xFFFFFFF0  }
0x2e: {  	p0 =	sne.s32 s6, $0x0;
	[bflag:$0x0] =	sbarrier.arrive $0xFFFF  }
0x2f: {  	_ =	sfence.sel @p0 $0x180000  }
0x30: {  	[bflag:$0x0] =	sbarrier.arrive @p0 $0xFFFF  }
0x31: {  	_ =	strace @p0 $0x90000047  }
0x32: {  	[bflag:$0x2] =	sbarrier.arrive @p0 $0xFFFF  }
0x33: {  	_ =	shalt @p0  }
.LBB2_1:
0x34: {  	s6 =	simm.s32 $0x210  }
0x35: {  	[tilespmem:s6], [sflag:$0x2] =	stream.linear.gather [spmem:s4], $0x100, $0x38;
	[tilespmem:$0x310] =	vst v63  }
0x36: {  	_ =	swait.ge [sflag:s3], $0x100  }
0x37: {  	[sflag:s3] =	ssyncset.done $0x0  }
0x38: {  	[sflag:s3] =	ssyncadd.s32 $0xFFFFFF00  }
0x39: {  	v0 =	vld [tilespmem:$0x210]  }
0x3a: {  	v1 =	vld [tilespmem:$0x220];
	_ =	sdelay $0x1  }
0x3b: {  	v2 =	vld [tilespmem:$0x230];
	_ =	sdelay $0x1  }
0x3c: {  	v3 =	vld [tilespmem:$0x240]  }
0x3d: {  	v0 =	vadd.f32 v1, v0  }
0x3e: {  	v51 =	vld [tilespmem:$0x250]  }
0x3f: {  	v0 =	vadd.f32 v2, v0  }
0x40: {  	v52 =	vld [tilespmem:$0x260]  }
0x41: {  	v0 =	vadd.f32 v3, v0  }
0x42: {  	v53 =	vld [tilespmem:$0x270]  }
0x43: {  	v0 =	vadd.f32 v51, v0  }
0x44: {  	v54 =	vld [tilespmem:$0x280]  }
0x45: {  	v0 =	vadd.f32 v52, v0  }
0x46: {  	v55 =	vld [tilespmem:$0x290]  }
0x47: {  	v0 =	vadd.f32 v53, v0  }
0x48: {  	v56 =	vld [tilespmem:$0x2A0]  }
0x49: {  	v0 =	vadd.f32 v54, v0  }
0x4a: {  	v57 =	vld [tilespmem:$0x2B0]  }
0x4b: {  	v0 =	vadd.f32 v55, v0  }
0x4c: {  	v58 =	vld [tilespmem:$0x2C0]  }
0x4d: {  	v0 =	vadd.f32 v56, v0  }
0x4e: {  	v59 =	vld [tilespmem:$0x2D0]  }
0x4f: {  	v0 =	vadd.f32 v57, v0  }
0x50: {  	v60 =	vld [tilespmem:$0x2E0]  }
0x51: {  	v0 =	vadd.f32 v58, v0  }
0x52: {  	v61 =	vld [tilespmem:$0x2F0]  }
0x53: {  	v0 =	vadd.f32 v59, v0  }
0x54: {  	v62 =	vld [tilespmem:$0x300]  }
0x55: {  	v0 =	vadd.f32 v60, v0;
	_ =	sdelay $0x1  }
0x56: {  	v0 =	vadd.f32 v61, v0;
	_ =	sdelay $0x1  }
0x57: {  	v0 =	vadd.f32 v62, v0;
	_ =	sdelay $0x1  }
0x58: {  	(v2sf) =	vpush v0, $0x0  }
0x59: {  	(v2sf) =	vpush v0, $0x1;
	_ =	sdelay $0x1  }
0x5a: {  	(v2sf) =	vpush v0, $0x2;
	_ =	sdelay $0x1  }
0x5b: {  	(v2sf) =	vpush v0, $0x3;
	_ =	sdelay $0x1  }
0x5c: {  	(v2sf) =	vpush v0, $0x4;
	_ =	sdelay $0x1  }
0x5d: {  	(v2sf) =	vpush v0, $0x5;
	_ =	sdelay $0x1  }
0x5e: {  	(v2sf) =	vpush v0, $0x6;
	_ =	sdelay $0x1  }
0x5f: {  	(v2sf) =	vpush v0, $0x7;
	_ =	sdelay $0x1  }
0x60: {  	s15 =	spop (v2sf);
	(v2sf) =	vpush v0, $0x8  }
0x61: {  	s16 =	spop (v2sf)  }
0x62: {  	(v2sf) =	vpush v0, $0x9;
	s4 =	sadd.f32 s16, s15  }
0x63: {  	s17 =	spop (v2sf)  }
0x64: {  	(v2sf) =	vpush v0, $0xA;
	s4 =	sadd.f32 s4, s17  }
0x65: {  	s18 =	spop (v2sf)  }
0x66: {  	(v2sf) =	vpush v0, $0xB;
	s4 =	sadd.f32 s4, s18  }
0x67: {  	s19 =	spop (v2sf)  }
0x68: {  	(v2sf) =	vpush v0, $0xC;
	s4 =	sadd.f32 s4, s19  }
0x69: {  	s20 =	spop (v2sf)  }
0x6a: {  	(v2sf) =	vpush v0, $0xD;
	s4 =	sadd.f32 s4, s20  }
0x6b: {  	s21 =	spop (v2sf)  }
0x6c: {  	(v2sf) =	vpush v0, $0xE;
	s4 =	sadd.f32 s4, s21  }
0x6d: {  	s22 =	spop (v2sf)  }
0x6e: {  	(v2sf) =	vpush v0, $0xF;
	s4 =	sadd.f32 s4, s22  }
0x6f: {  	s23 =	spop (v2sf)  }
0x70: {  	s4 =	sadd.f32 s4, s23  }
0x71: {  	s24 =	spop (v2sf)  }
0x72: {  	s4 =	sadd.f32 s4, s24  }
0x73: {  	s25 =	spop (v2sf)  }
0x74: {  	s4 =	sadd.f32 s4, s25  }
0x75: {  	s26 =	spop (v2sf)  }
0x76: {  	s4 =	sadd.f32 s4, s26  }
0x77: {  	s28 =	spop (v2sf)  }
0x78: {  	s4 =	sadd.f32 s4, s28  }
0x79: {  	s29 =	spop (v2sf)  }
0x7a: {  	s4 =	sadd.f32 s4, s29  }
0x7b: {  	s30 =	spop (v2sf)  }
0x7c: {  	s4 =	sadd.f32 s4, s30  }
0x7d: {  	s31 =	spop (v2sf)  }
0x7e: {  	s4 =	sadd.f32 s4, s31;
	_ =	sdelay $0x1  }
0x7f: {  	s4 =	smul.f32 $9.765625000e-04, s4;
	_ =	sdelay $0x1  }
0x80: {  	v63 =	vmov s4  }
0x81: {  	[tilespmem:$0x180] =	vst v63  }
0x82: {  	[hbm4b:s1+s2] =	stream.linear.scatter [tilespmem:s5], [sflag:$0x2], $0x80, $0x38;
	[tilespmem:$0x310] =	vst v63  }
0x83: {  	_ =	swait.ge [sflag:s3], $0x80  }
0x84: {  	[sflag:s3] =	ssyncset.done $0x0  }
0x85: {  	[sflag:s3] =	ssyncadd.s32 $0xFFFFFF80  }
0x86: {  	_ =	sfence.sel $0x180000  }
0x87: {  	[bflag:$0x0] =	sbarrier.arrive $0xFFFF  }
0x88: {  	_ =	strace $0x90000047  }
0x89: {  	s0 =	sadd.s32 $0x100000, s0;
	[bflag:$0x2] =	sbarrier.arrive $0xFFFF  }
0x8a: {  	[sflag:s0] =	ssyncadd.tile.s32 $0x1;
	_ =	shalt  }
.Lfunc_end2:
_tile_overlayer_lowered:
.L_overlay_start_2:
0x8b: {  	(tag) =	ssettag $0x2  }
0x8c: {  	s0 =	rddreg [dreg:$0x0];
	s2 =	stileid.u32  }
0x8d: {  	s1 =	rddreg [dreg:$0x1];
	p0 =	sne.s32 s2, $0x0  }
0x8e: {  	s3 =	rddreg [dreg:$0x2];
	[bflag:$0x3] =	sbarrier.arrive $0xFFFF;
	s2 =	simm.s32 @!p0 $0x1C02  }
0x8f: {  	[timem:s3], [sflag:s2] =	dma.local @!p0 [hbm:s0], s1  }
0x90: {  	s0 =	simm.s32 @!p0 $0x2  }
0x91: {  	_ =	swait.ge @!p0 [sflag:s0], s1  }
0x92: {  	s1 =	ssub.s32 @!p0 $0x0, s1;
	[sflag:s0] =	ssyncset.done @!p0 $0x0  }
0x93: {  	[sflag:s0] =	ssyncadd.s32 @!p0 s1  }
0x94: {  	[bflag:$0x3] =	sbarrier.arrive $0xFFFF  }
0x95: {  	_ =	shalt  }

</sc_bundles>
